<compile_context>
chip_gen: v7x
topology: tpu7x:2x2x1
jax: 0.10.2.dev20260603
libtpu: 0.0.44.dev20260713+nightly
codegen_flags: <defaults>
</compile_context>

<pallas_src>
import jax
import jax.numpy as jnp
from jax import lax
from jax.experimental import pallas as pl
from jax.experimental.pallas import tpu as pltpu
from jax.experimental.pallas import tpu_sc as plsc

_NUM_CORES = 2
_NUM_SUBCORES = 16
_NW = _NUM_CORES * _NUM_SUBCORES
_IDXW = 128
_PADW = 128
_CHUNK = 256
_BLOCK = 1024


def _make_kernel(n_tokens, d):
    per_w = n_tokens // _NW
    n_blocks = per_w // _BLOCK
    mesh = plsc.VectorSubcoreMesh(core_axis_name="c", subcore_axis_name="s")

    def body(ids_hbm, comb_hbm, out_hbm, idx_v,
             buf_a, buf_b, buf_c,
             gsem_a, gsem_b, gsem_c, wsem_a, wsem_b, wsem_c):
        wid = lax.axis_index("s") * _NUM_CORES + lax.axis_index("c")
        w_base = wid * per_w

        bufs = (buf_a, buf_b, buf_c)
        gsems = (gsem_a, gsem_b, gsem_c)
        wsems = (wsem_a, wsem_b, wsem_c)
        n_chunks = _BLOCK // _CHUNK
        rows_per_chunk = _CHUNK // _IDXW

        def block_body(k, carry):
            base = w_base + k * _BLOCK
            idrow0 = pl.multiple_of(base // _IDXW, 8)
            pltpu.sync_copy(ids_hbm.at[pl.ds(idrow0, 8)], idx_v)

            ghandles = [None, None, None]
            whandles = [None, None, None]

            def start_gather(p, c):
                if whandles[p] is not None:
                    whandles[p].wait()
                    whandles[p] = None
                rows = [c * rows_per_chunk + j for j in range(rows_per_chunk)]
                ghandles[p] = [
                    pltpu.async_copy(
                        comb_hbm.at[idx_v.at[rows[j]]],
                        bufs[p].at[pl.ds(j * _IDXW, _IDXW)],
                        gsems[p],
                    )
                    for j in range(rows_per_chunk)
                ]

            def start_write(p, c):
                for h in ghandles[p]:
                    h.wait()
                ghandles[p] = None
                orow = pl.multiple_of(base + c * _CHUNK, 8)
                whandles[p] = pltpu.async_copy(
                    bufs[p], out_hbm.at[pl.ds(orow, _CHUNK)], wsems[p])

            for c in range(n_chunks):
                start_gather(c % 3, c)
                if c >= 1:
                    start_write((c - 1) % 3, c - 1)
            start_write((n_chunks - 1) % 3, n_chunks - 1)
            for p in range(3):
                if whandles[p] is not None:
                    whandles[p].wait()
            return carry

        lax.fori_loop(0, n_blocks, block_body, 0)

    return pl.kernel(
        body,
        out_type=jax.ShapeDtypeStruct((n_tokens, _PADW), jnp.float32),
        mesh=mesh,
        scratch_types=[
            pltpu.VMEM((8, _IDXW), jnp.int32),
            pltpu.VMEM((_CHUNK, _PADW), jnp.float32),
            pltpu.VMEM((_CHUNK, _PADW), jnp.float32),
            pltpu.VMEM((_CHUNK, _PADW), jnp.float32),
            pltpu.SemaphoreType.DMA,
            pltpu.SemaphoreType.DMA,
            pltpu.SemaphoreType.DMA,
            pltpu.SemaphoreType.DMA,
            pltpu.SemaphoreType.DMA,
            pltpu.SemaphoreType.DMA,
        ],
    )


@jax.jit
def kernel(input_ids, image_embeds, table):
    b, s = input_ids.shape
    d = table.shape[1]
    ids = input_ids.reshape(-1, _IDXW).astype(jnp.int32)
    combined = jnp.concatenate([table, image_embeds.astype(table.dtype)], axis=0)
    combined = jnp.pad(combined, ((0, 0), (0, _PADW - d)))
    k = _make_kernel(ids.size, d)
    out = k(ids, combined)
    return out[:, :d].reshape(b, s, d)

# --- scband reference (transcript-rebuilt; emitter-appended) ---
"""Pipeline reference for scband-prompt-tuning-embedding-69715909149345 (READ-ONLY COPY).

The authoritative reference and input builder live on the scoring server;
editing this copy changes nothing except your own understanding.
"""

import jax, jax.numpy as jnp
import numpy as np

VOCAB = 1000000
EMBED_DIM = 64
N_IMAGE_TOKENS = 4096
BATCH = 4096
SEQ = 200


def setup_inputs(seed: int = 0) -> dict:
    key = jax.random.key(seed)
    k1, k2, k3 = jax.random.split(key, 3)
    input_ids = jax.random.randint(k1, (BATCH, SEQ), 0, VOCAB + N_IMAGE_TOKENS, dtype=jnp.int64 if jax.config.jax_enable_x64 else jnp.int32)
    image_embeds = jax.random.normal(k2, (N_IMAGE_TOKENS, EMBED_DIM), dtype=jnp.float32)
    table = jax.random.normal(k3, (VOCAB, EMBED_DIM), dtype=jnp.float32) * 0.02
    return {"input_ids": input_ids, "image_embeds": image_embeds, "table": table}


def reference(input_ids, image_embeds, table):
    vocab_size = table.shape[0]
    image_mask = input_ids > vocab_size - 1
    normal_tokens = jnp.where(image_mask, vocab_size - 1, input_ids)
    normal_embeddings = jnp.take(table, normal_tokens, axis=0)
    visual_tokens = jnp.where(image_mask, input_ids - vocab_size, 0)
    img = jnp.take(image_embeds, visual_tokens, axis=0)
    inputs_embeds = jnp.where(image_mask[..., None], img, normal_embeddings)
    return inputs_embeds

if __name__ == "__main__":
    import jax
    _d = setup_inputs()
    print(jax.jit(kernel)(*tuple(_d.values())))

</pallas_src>

<mosaic_0001>
#map = affine_map<(d0, d1) -> (0, 0)>
module attributes {stable_mosaic.version = 14 : i64} {
  func.func @body(%arg0: i32, %arg1: i32, %arg2: memref<6400x128xi32, #tpu.memory_space<hbm>>, %arg3: memref<1004096x128xf32, #tpu.memory_space<hbm>>, %arg4: memref<819200x128xf32, #tpu.memory_space<hbm>>, %arg5: memref<8x128xi32, #tpu.memory_space<vmem>>, %arg6: memref<256x128xf32, #tpu.memory_space<vmem>>, %arg7: memref<256x128xf32, #tpu.memory_space<vmem>>, %arg8: memref<256x128xf32, #tpu.memory_space<vmem>>, %arg9: memref<!tpu.dma_semaphore, #tpu.memory_space<semaphore_mem>>, %arg10: memref<!tpu.dma_semaphore, #tpu.memory_space<semaphore_mem>>, %arg11: memref<!tpu.dma_semaphore, #tpu.memory_space<semaphore_mem>>, %arg12: memref<!tpu.dma_semaphore, #tpu.memory_space<semaphore_mem>>, %arg13: memref<!tpu.dma_semaphore, #tpu.memory_space<semaphore_mem>>, %arg14: memref<!tpu.dma_semaphore, #tpu.memory_space<semaphore_mem>>) attributes {dimension_semantics = [#tpu.dimension_semantics<core_parallel>, #tpu.dimension_semantics<subcore_parallel>], iteration_bounds = array<i64: 2, 16>, scalar_prefetch = 0 : i64, scratch_operands = 10 : i64, tpu.core_type = #tpu.core_type<sc_vector_subcore>, window_params = [{transform_indices = #map}, {transform_indices = #map}, {transform_indices = #map}]} {
    %mul3A = arith.constant 2 : i32
    %mul3A_0 = arith.muli %arg1, %mul3A : i32
    %add3A = arith.addi %mul3A_0, %arg0 : i32
    %mul3A_1 = arith.constant 25600 : i32
    %mul3A_2 = arith.muli %add3A, %mul3A_1 : i32
    %scan3A = arith.constant 0 : i32
    %scan3A_3 = arith.constant 0 : i32
    %scan3A_4 = arith.constant 25 : i32
    %scan3A_5 = arith.addi %scan3A_3, %scan3A_4 : i32
    %scan3A_6 = arith.constant 1 : i32
    scf.for %scan3A_8 = %scan3A_3 to %scan3A_5 step %scan3A_6  : i32 {
      %mul3A_9 = arith.constant 1024 : i32
      %mul3A_10 = arith.muli %scan3A_8, %mul3A_9 : i32
      %add3A_11 = arith.addi %mul3A_2, %mul3A_10 : i32
      %jit3A = arith.constant 128 : i32
      %div3A = arith.divsi %add3A_11, %jit3A : i32
      %sign3A = arith.constant 0 : i32
      %sign3A_12 = arith.cmpi sgt, %add3A_11, %sign3A : i32
      %sign3A_13 = arith.extui %sign3A_12 : i1 to i32
      %sign3A_14 = arith.constant 0 : i32
      %sign3A_15 = arith.cmpi slt, %add3A_11, %sign3A_14 : i32
      %sign3A_16 = arith.extui %sign3A_15 : i1 to i32
      %sign3A_17 = arith.subi %sign3A_13, %sign3A_16 : i32
      %sign3A_18 = arith.constant 0 : i32
      %sign3A_19 = arith.cmpi sgt, %jit3A, %sign3A_18 : i32
      %sign3A_20 = arith.extui %sign3A_19 : i1 to i32
      %sign3A_21 = arith.constant 0 : i32
      %sign3A_22 = arith.cmpi slt, %jit3A, %sign3A_21 : i32
      %sign3A_23 = arith.extui %sign3A_22 : i1 to i32
      %sign3A_24 = arith.subi %sign3A_20, %sign3A_23 : i32
      %ne3A = arith.cmpi ne, %sign3A_17, %sign3A_24 : i32
      %rem3A = arith.remsi %add3A_11, %jit3A : i32
      %ne3A_25 = arith.constant 0 : i32
      %ne3A_26 = arith.cmpi ne, %rem3A, %ne3A_25 : i32
      %and3A = arith.andi %ne3A, %ne3A_26 : i1
      %sub3A = arith.constant 1 : i32
      %sub3A_27 = arith.subi %div3A, %sub3A : i32
      %select_n3A = arith.select %and3A, %sub3A_27, %div3A : i32
      %multiple_of3A = tpu.assume_multiple %select_n3A, 8 : i32
      "tpu.region"() ({
        %run_scoped3A = tpu.sem_alloc : memref<!tpu.dma_semaphore, #tpu.memory_space<semaphore_mem>>
        %dma_start3A_230 = arith.constant 0 : i32
        %dma_start3A_231 = tpu.memref_slice %arg2[%multiple_of3A, %dma_start3A_230] : memref<6400x128xi32, #tpu.memory_space<hbm>> -> memref<8x128xi32, #tpu.memory_space<hbm>>
        %dma_start3A_232 = arith.constant 0 : i32
        %dma_start3A_233 = tpu.memref_slice %arg2[%multiple_of3A, %dma_start3A_232] : memref<6400x128xi32, #tpu.memory_space<hbm>> -> memref<8x128xi32, #tpu.memory_space<hbm>>
        tpu.enqueue_dma source(%dma_start3A_233 : memref<8x128xi32, #tpu.memory_space<hbm>>) target(%arg5 : memref<8x128xi32, #tpu.memory_space<vmem>>) target_semaphore(%run_scoped3A : memref<!tpu.dma_semaphore, #tpu.memory_space<semaphore_mem>>)
        %dma_wait3A_234 = arith.constant 0 : i32
        %dma_wait3A_235 = tpu.memref_slice %arg2[%multiple_of3A, %dma_wait3A_234] : memref<6400x128xi32, #tpu.memory_space<hbm>> -> memref<8x128xi32, #tpu.memory_space<hbm>>
        %dma_wait3A_236 = arith.constant 0 : i32
        %dma_wait3A_237 = tpu.memref_slice %arg2[%multiple_of3A, %dma_wait3A_236] : memref<6400x128xi32, #tpu.memory_space<hbm>> -> memref<8x128xi32, #tpu.memory_space<hbm>>
        tpu.wait_dma2 semaphore(%run_scoped3A : memref<!tpu.dma_semaphore, #tpu.memory_space<semaphore_mem>>) src(%dma_wait3A_237 : memref<8x128xi32, #tpu.memory_space<hbm>>) dst(%arg5 : memref<8x128xi32, #tpu.memory_space<vmem>>)
        tpu.yield
      }) : () -> ()
      %dma_start3A = arith.constant 0 : i32
      %dma_start3A_28 = arith.constant 0 : i32
      %dma_start3A_29 = arith.constant 0 : i32
      %dma_start3A_30 = tpu.memref_slice %arg6[%dma_start3A_28, %dma_start3A_29] : memref<256x128xf32, #tpu.memory_space<vmem>> -> memref<128x128xf32, #tpu.memory_space<vmem>>
      %dma_start3A_31 = arith.constant 0 : i32
      %dma_start3A_32 = tpu.memref_slice %arg5[%dma_start3A, %dma_start3A_31] : memref<8x128xi32, #tpu.memory_space<vmem>> -> memref<1x128xi32, #tpu.memory_space<vmem>>
      %dma_start3A_33 = tpu.memref_squeeze %dma_start3A_32 : memref<1x128xi32, #tpu.memory_space<vmem>> -> memref<128xi32, #tpu.memory_space<vmem>>
      %dma_start3A_34 = arith.constant 0 : i32
      %dma_start3A_35 = arith.constant 0 : i32
      %dma_start3A_36 = tpu.memref_slice %arg3[%dma_start3A_34, %dma_start3A_35] : memref<1004096x128xf32, #tpu.memory_space<hbm>> -> memref<1004096x128xf32, #tpu.memory_space<hbm>>
      tpu.enqueue_indirect_dma source(%dma_start3A_36 : memref<1004096x128xf32, #tpu.memory_space<hbm>>) target(%dma_start3A_30 : memref<128x128xf32, #tpu.memory_space<vmem>>) offsets(%dma_start3A_33 : memref<128xi32, #tpu.memory_space<vmem>>) semaphore(%arg9 : memref<!tpu.dma_semaphore, #tpu.memory_space<semaphore_mem>>)
      %dma_start3A_37 = arith.constant 1 : i32
      %dma_start3A_38 = arith.constant 128 : i32
      %dma_start3A_39 = arith.constant 0 : i32
      %dma_start3A_40 = tpu.memref_slice %arg6[%dma_start3A_38, %dma_start3A_39] : memref<256x128xf32, #tpu.memory_space<vmem>> -> memref<128x128xf32, #tpu.memory_space<vmem>>
      %dma_start3A_41 = arith.constant 0 : i32
      %dma_start3A_42 = tpu.memref_slice %arg5[%dma_start3A_37, %dma_start3A_41] : memref<8x128xi32, #tpu.memory_space<vmem>> -> memref<1x128xi32, #tpu.memory_space<vmem>>
      %dma_start3A_43 = tpu.memref_squeeze %dma_start3A_42 : memref<1x128xi32, #tpu.memory_space<vmem>> -> memref<128xi32, #tpu.memory_space<vmem>>
      %dma_start3A_44 = arith.constant 0 : i32
      %dma_start3A_45 = arith.constant 0 : i32
      %dma_start3A_46 = tpu.memref_slice %arg3[%dma_start3A_44, %dma_start3A_45] : memref<1004096x128xf32, #tpu.memory_space<hbm>> -> memref<1004096x128xf32, #tpu.memory_space<hbm>>
      tpu.enqueue_indirect_dma source(%dma_start3A_46 : memref<1004096x128xf32, #tpu.memory_space<hbm>>) target(%dma_start3A_40 : memref<128x128xf32, #tpu.memory_space<vmem>>) offsets(%dma_start3A_43 : memref<128xi32, #tpu.memory_space<vmem>>) semaphore(%arg9 : memref<!tpu.dma_semaphore, #tpu.memory_space<semaphore_mem>>)
      %dma_start3A_47 = arith.constant 2 : i32
      %dma_start3A_48 = arith.constant 0 : i32
      %dma_start3A_49 = arith.constant 0 : i32
      %dma_start3A_50 = tpu.memref_slice %arg7[%dma_start3A_48, %dma_start3A_49] : memref<256x128xf32, #tpu.memory_space<vmem>> -> memref<128x128xf32, #tpu.memory_space<vmem>>
      %dma_start3A_51 = arith.constant 0 : i32
      %dma_start3A_52 = tpu.memref_slice %arg5[%dma_start3A_47, %dma_start3A_51] : memref<8x128xi32, #tpu.memory_space<vmem>> -> memref<1x128xi32, #tpu.memory_space<vmem>>
      %dma_start3A_53 = tpu.memref_squeeze %dma_start3A_52 : memref<1x128xi32, #tpu.memory_space<vmem>> -> memref<128xi32, #tpu.memory_space<vmem>>
      %dma_start3A_54 = arith.constant 0 : i32
      %dma_start3A_55 = arith.constant 0 : i32
      %dma_start3A_56 = tpu.memref_slice %arg3[%dma_start3A_54, %dma_start3A_55] : memref<1004096x128xf32, #tpu.memory_space<hbm>> -> memref<1004096x128xf32, #tpu.memory_space<hbm>>
      tpu.enqueue_indirect_dma source(%dma_start3A_56 : memref<1004096x128xf32, #tpu.memory_space<hbm>>) target(%dma_start3A_50 : memref<128x128xf32, #tpu.memory_space<vmem>>) offsets(%dma_start3A_53 : memref<128xi32, #tpu.memory_space<vmem>>) semaphore(%arg10 : memref<!tpu.dma_semaphore, #tpu.memory_space<semaphore_mem>>)
      %dma_start3A_57 = arith.constant 3 : i32
      %dma_start3A_58 = arith.constant 128 : i32
      %dma_start3A_59 = arith.constant 0 : i32
      %dma_start3A_60 = tpu.memref_slice %arg7[%dma_start3A_58, %dma_start3A_59] : memref<256x128xf32, #tpu.memory_space<vmem>> -> memref<128x128xf32, #tpu.memory_space<vmem>>
      %dma_start3A_61 = arith.constant 0 : i32
      %dma_start3A_62 = tpu.memref_slice %arg5[%dma_start3A_57, %dma_start3A_61] : memref<8x128xi32, #tpu.memory_space<vmem>> -> memref<1x128xi32, #tpu.memory_space<vmem>>
      %dma_start3A_63 = tpu.memref_squeeze %dma_start3A_62 : memref<1x128xi32, #tpu.memory_space<vmem>> -> memref<128xi32, #tpu.memory_space<vmem>>
      %dma_start3A_64 = arith.constant 0 : i32
      %dma_start3A_65 = arith.constant 0 : i32
      %dma_start3A_66 = tpu.memref_slice %arg3[%dma_start3A_64, %dma_start3A_65] : memref<1004096x128xf32, #tpu.memory_space<hbm>> -> memref<1004096x128xf32, #tpu.memory_space<hbm>>
      tpu.enqueue_indirect_dma source(%dma_start3A_66 : memref<1004096x128xf32, #tpu.memory_space<hbm>>) target(%dma_start3A_60 : memref<128x128xf32, #tpu.memory_space<vmem>>) offsets(%dma_start3A_63 : memref<128xi32, #tpu.memory_space<vmem>>) semaphore(%arg10 : memref<!tpu.dma_semaphore, #tpu.memory_space<semaphore_mem>>)
      %dma_wait3A = arith.constant 0 : i32
      %dma_wait3A_67 = arith.constant 0 : i32
      %dma_wait3A_68 = arith.constant 0 : i32
      %dma_wait3A_69 = tpu.memref_slice %arg6[%dma_wait3A_67, %dma_wait3A_68] : memref<256x128xf32, #tpu.memory_space<vmem>> -> memref<128x128xf32, #tpu.memory_space<vmem>>
      %dma_wait3A_70 = arith.constant 0 : i32
      %dma_wait3A_71 = tpu.memref_slice %arg5[%dma_wait3A, %dma_wait3A_70] : memref<8x128xi32, #tpu.memory_space<vmem>> -> memref<1x128xi32, #tpu.memory_space<vmem>>
      %dma_wait3A_72 = tpu.memref_squeeze %dma_wait3A_71 : memref<1x128xi32, #tpu.memory_space<vmem>> -> memref<128xi32, #tpu.memory_space<vmem>>
      %dma_wait3A_73 = arith.constant 0 : i32
      %dma_wait3A_74 = arith.constant 0 : i32
      %dma_wait3A_75 = tpu.memref_slice %arg3[%dma_wait3A_73, %dma_wait3A_74] : memref<1004096x128xf32, #tpu.memory_space<hbm>> -> memref<1004096x128xf32, #tpu.memory_space<hbm>>
      tpu.wait_indirect_dma semaphore(%arg9 : memref<!tpu.dma_semaphore, #tpu.memory_space<semaphore_mem>>) src(%dma_wait3A_75 : memref<1004096x128xf32, #tpu.memory_space<hbm>>) dst(%dma_wait3A_69 : memref<128x128xf32, #tpu.memory_space<vmem>>)
      %dma_wait3A_76 = arith.constant 1 : i32
      %dma_wait3A_77 = arith.constant 128 : i32
      %dma_wait3A_78 = arith.constant 0 : i32
      %dma_wait3A_79 = tpu.memref_slice %arg6[%dma_wait3A_77, %dma_wait3A_78] : memref<256x128xf32, #tpu.memory_space<vmem>> -> memref<128x128xf32, #tpu.memory_space<vmem>>
      %dma_wait3A_80 = arith.constant 0 : i32
      %dma_wait3A_81 = tpu.memref_slice %arg5[%dma_wait3A_76, %dma_wait3A_80] : memref<8x128xi32, #tpu.memory_space<vmem>> -> memref<1x128xi32, #tpu.memory_space<vmem>>
      %dma_wait3A_82 = tpu.memref_squeeze %dma_wait3A_81 : memref<1x128xi32, #tpu.memory_space<vmem>> -> memref<128xi32, #tpu.memory_space<vmem>>
      %dma_wait3A_83 = arith.constant 0 : i32
      %dma_wait3A_84 = arith.constant 0 : i32
      %dma_wait3A_85 = tpu.memref_slice %arg3[%dma_wait3A_83, %dma_wait3A_84] : memref<1004096x128xf32, #tpu.memory_space<hbm>> -> memref<1004096x128xf32, #tpu.memory_space<hbm>>
      tpu.wait_indirect_dma semaphore(%arg9 : memref<!tpu.dma_semaphore, #tpu.memory_space<semaphore_mem>>) src(%dma_wait3A_85 : memref<1004096x128xf32, #tpu.memory_space<hbm>>) dst(%dma_wait3A_79 : memref<128x128xf32, #tpu.memory_space<vmem>>)
      %add3A_86 = arith.constant 0 : i32
      %add3A_87 = arith.addi %add3A_11, %add3A_86 : i32
      %multiple_of3A_88 = tpu.assume_multiple %add3A_87, 8 : i32
      %dma_start3A_89 = arith.constant 0 : i32
      %dma_start3A_90 = tpu.memref_slice %arg4[%multiple_of3A_88, %dma_start3A_89] : memref<819200x128xf32, #tpu.memory_space<hbm>> -> memref<256x128xf32, #tpu.memory_space<hbm>>
      %dma_start3A_91 = arith.constant 0 : i32
      %dma_start3A_92 = tpu.memref_slice %arg4[%multiple_of3A_88, %dma_start3A_91] : memref<819200x128xf32, #tpu.memory_space<hbm>> -> memref<256x128xf32, #tpu.memory_space<hbm>>
      tpu.enqueue_dma source(%arg6 : memref<256x128xf32, #tpu.memory_space<vmem>>) target(%dma_start3A_92 : memref<256x128xf32, #tpu.memory_space<hbm>>) target_semaphore(%arg12 : memref<!tpu.dma_semaphore, #tpu.memory_space<semaphore_mem>>)
      %dma_start3A_93 = arith.constant 4 : i32
      %dma_start3A_94 = arith.constant 0 : i32
      %dma_start3A_95 = arith.constant 0 : i32
      %dma_start3A_96 = tpu.memref_slice %arg8[%dma_start3A_94, %dma_start3A_95] : memref<256x128xf32, #tpu.memory_space<vmem>> -> memref<128x128xf32, #tpu.memory_space<vmem>>
      %dma_start3A_97 = arith.constant 0 : i32
      %dma_start3A_98 = tpu.memref_slice %arg5[%dma_start3A_93, %dma_start3A_97] : memref<8x128xi32, #tpu.memory_space<vmem>> -> memref<1x128xi32, #tpu.memory_space<vmem>>
      %dma_start3A_99 = tpu.memref_squeeze %dma_start3A_98 : memref<1x128xi32, #tpu.memory_space<vmem>> -> memref<128xi32, #tpu.memory_space<vmem>>
      %dma_start3A_100 = arith.constant 0 : i32
      %dma_start3A_101 = arith.constant 0 : i32
      %dma_start3A_102 = tpu.memref_slice %arg3[%dma_start3A_100, %dma_start3A_101] : memref<1004096x128xf32, #tpu.memory_space<hbm>> -> memref<1004096x128xf32, #tpu.memory_space<hbm>>
      tpu.enqueue_indirect_dma source(%dma_start3A_102 : memref<1004096x128xf32, #tpu.memory_space<hbm>>) target(%dma_start3A_96 : memref<128x128xf32, #tpu.memory_space<vmem>>) offsets(%dma_start3A_99 : memref<128xi32, #tpu.memory_space<vmem>>) semaphore(%arg11 : memref<!tpu.dma_semaphore, #tpu.memory_space<semaphore_mem>>)
      %dma_start3A_103 = arith.constant 5 : i32
      %dma_start3A_104 = arith.constant 128 : i32
      %dma_start3A_105 = arith.constant 0 : i32
      %dma_start3A_106 = tpu.memref_slice %arg8[%dma_start3A_104, %dma_start3A_105] : memref<256x128xf32, #tpu.memory_space<vmem>> -> memref<128x128xf32, #tpu.memory_space<vmem>>
      %dma_start3A_107 = arith.constant 0 : i32
      %dma_start3A_108 = tpu.memref_slice %arg5[%dma_start3A_103, %dma_start3A_107] : memref<8x128xi32, #tpu.memory_space<vmem>> -> memref<1x128xi32, #tpu.memory_space<vmem>>
      %dma_start3A_109 = tpu.memref_squeeze %dma_start3A_108 : memref<1x128xi32, #tpu.memory_space<vmem>> -> memref<128xi32, #tpu.memory_space<vmem>>
      %dma_start3A_110 = arith.constant 0 : i32
      %dma_start3A_111 = arith.constant 0 : i32
      %dma_start3A_112 = tpu.memref_slice %arg3[%dma_start3A_110, %dma_start3A_111] : memref<1004096x128xf32, #tpu.memory_space<hbm>> -> memref<1004096x128xf32, #tpu.memory_space<hbm>>
      tpu.enqueue_indirect_dma source(%dma_start3A_112 : memref<1004096x128xf32, #tpu.memory_space<hbm>>) target(%dma_start3A_106 : memref<128x128xf32, #tpu.memory_space<vmem>>) offsets(%dma_start3A_109 : memref<128xi32, #tpu.memory_space<vmem>>) semaphore(%arg11 : memref<!tpu.dma_semaphore, #tpu.memory_space<semaphore_mem>>)
      %dma_wait3A_113 = arith.constant 2 : i32
      %dma_wait3A_114 = arith.constant 0 : i32
      %dma_wait3A_115 = arith.constant 0 : i32
      %dma_wait3A_116 = tpu.memref_slice %arg7[%dma_wait3A_114, %dma_wait3A_115] : memref<256x128xf32, #tpu.memory_space<vmem>> -> memref<128x128xf32, #tpu.memory_space<vmem>>
      %dma_wait3A_117 = arith.constant 0 : i32
      %dma_wait3A_118 = tpu.memref_slice %arg5[%dma_wait3A_113, %dma_wait3A_117] : memref<8x128xi32, #tpu.memory_space<vmem>> -> memref<1x128xi32, #tpu.memory_space<vmem>>
      %dma_wait3A_119 = tpu.memref_squeeze %dma_wait3A_118 : memref<1x128xi32, #tpu.memory_space<vmem>> -> memref<128xi32, #tpu.memory_space<vmem>>
      %dma_wait3A_120 = arith.constant 0 : i32
      %dma_wait3A_121 = arith.constant 0 : i32
      %dma_wait3A_122 = tpu.memref_slice %arg3[%dma_wait3A_120, %dma_wait3A_121] : memref<1004096x128xf32, #tpu.memory_space<hbm>> -> memref<1004096x128xf32, #tpu.memory_space<hbm>>
      tpu.wait_indirect_dma semaphore(%arg10 : memref<!tpu.dma_semaphore, #tpu.memory_space<semaphore_mem>>) src(%dma_wait3A_122 : memref<1004096x128xf32, #tpu.memory_space<hbm>>) dst(%dma_wait3A_116 : memref<128x128xf32, #tpu.memory_space<vmem>>)
      %dma_wait3A_123 = arith.constant 3 : i32
      %dma_wait3A_124 = arith.constant 128 : i32
      %dma_wait3A_125 = arith.constant 0 : i32
      %dma_wait3A_126 = tpu.memref_slice %arg7[%dma_wait3A_124, %dma_wait3A_125] : memref<256x128xf32, #tpu.memory_space<vmem>> -> memref<128x128xf32, #tpu.memory_space<vmem>>
      %dma_wait3A_127 = arith.constant 0 : i32
      %dma_wait3A_128 = tpu.memref_slice %arg5[%dma_wait3A_123, %dma_wait3A_127] : memref<8x128xi32, #tpu.memory_space<vmem>> -> memref<1x128xi32, #tpu.memory_space<vmem>>
      %dma_wait3A_129 = tpu.memref_squeeze %dma_wait3A_128 : memref<1x128xi32, #tpu.memory_space<vmem>> -> memref<128xi32, #tpu.memory_space<vmem>>
      %dma_wait3A_130 = arith.constant 0 : i32
      %dma_wait3A_131 = arith.constant 0 : i32
      %dma_wait3A_132 = tpu.memref_slice %arg3[%dma_wait3A_130, %dma_wait3A_131] : memref<1004096x128xf32, #tpu.memory_space<hbm>> -> memref<1004096x128xf32, #tpu.memory_space<hbm>>
      tpu.wait_indirect_dma semaphore(%arg10 : memref<!tpu.dma_semaphore, #tpu.memory_space<semaphore_mem>>) src(%dma_wait3A_132 : memref<1004096x128xf32, #tpu.memory_space<hbm>>) dst(%dma_wait3A_126 : memref<128x128xf32, #tpu.memory_space<vmem>>)
      %add3A_133 = arith.constant 256 : i32
      %add3A_134 = arith.addi %add3A_11, %add3A_133 : i32
      %multiple_of3A_135 = tpu.assume_multiple %add3A_134, 8 : i32
      %dma_start3A_136 = arith.constant 0 : i32
      %dma_start3A_137 = tpu.memref_slice %arg4[%multiple_of3A_135, %dma_start3A_136] : memref<819200x128xf32, #tpu.memory_space<hbm>> -> memref<256x128xf32, #tpu.memory_space<hbm>>
      %dma_start3A_138 = arith.constant 0 : i32
      %dma_start3A_139 = tpu.memref_slice %arg4[%multiple_of3A_135, %dma_start3A_138] : memref<819200x128xf32, #tpu.memory_space<hbm>> -> memref<256x128xf32, #tpu.memory_space<hbm>>
      tpu.enqueue_dma source(%arg7 : memref<256x128xf32, #tpu.memory_space<vmem>>) target(%dma_start3A_139 : memref<256x128xf32, #tpu.memory_space<hbm>>) target_semaphore(%arg13 : memref<!tpu.dma_semaphore, #tpu.memory_space<semaphore_mem>>)
      %dma_wait3A_140 = arith.constant 0 : i32
      %dma_wait3A_141 = tpu.memref_slice %arg4[%multiple_of3A_88, %dma_wait3A_140] : memref<819200x128xf32, #tpu.memory_space<hbm>> -> memref<256x128xf32, #tpu.memory_space<hbm>>
      %dma_wait3A_142 = arith.constant 0 : i32
      %dma_wait3A_143 = tpu.memref_slice %arg4[%multiple_of3A_88, %dma_wait3A_142] : memref<819200x128xf32, #tpu.memory_space<hbm>> -> memref<256x128xf32, #tpu.memory_space<hbm>>
      tpu.wait_dma2 semaphore(%arg12 : memref<!tpu.dma_semaphore, #tpu.memory_space<semaphore_mem>>) src(%arg6 : memref<256x128xf32, #tpu.memory_space<vmem>>) dst(%dma_wait3A_143 : memref<256x128xf32, #tpu.memory_space<hbm>>)
      %dma_start3A_144 = arith.constant 6 : i32
      %dma_start3A_145 = arith.constant 0 : i32
      %dma_start3A_146 = arith.constant 0 : i32
      %dma_start3A_147 = tpu.memref_slice %arg6[%dma_start3A_145, %dma_start3A_146] : memref<256x128xf32, #tpu.memory_space<vmem>> -> memref<128x128xf32, #tpu.memory_space<vmem>>
      %dma_start3A_148 = arith.constant 0 : i32
      %dma_start3A_149 = tpu.memref_slice %arg5[%dma_start3A_144, %dma_start3A_148] : memref<8x128xi32, #tpu.memory_space<vmem>> -> memref<1x128xi32, #tpu.memory_space<vmem>>
      %dma_start3A_150 = tpu.memref_squeeze %dma_start3A_149 : memref<1x128xi32, #tpu.memory_space<vmem>> -> memref<128xi32, #tpu.memory_space<vmem>>
      %dma_start3A_151 = arith.constant 0 : i32
      %dma_start3A_152 = arith.constant 0 : i32
      %dma_start3A_153 = tpu.memref_slice %arg3[%dma_start3A_151, %dma_start3A_152] : memref<1004096x128xf32, #tpu.memory_space<hbm>> -> memref<1004096x128xf32, #tpu.memory_space<hbm>>
      tpu.enqueue_indirect_dma source(%dma_start3A_153 : memref<1004096x128xf32, #tpu.memory_space<hbm>>) target(%dma_start3A_147 : memref<128x128xf32, #tpu.memory_space<vmem>>) offsets(%dma_start3A_150 : memref<128xi32, #tpu.memory_space<vmem>>) semaphore(%arg9 : memref<!tpu.dma_semaphore, #tpu.memory_space<semaphore_mem>>)
      %dma_start3A_154 = arith.constant 7 : i32
      %dma_start3A_155 = arith.constant 128 : i32
      %dma_start3A_156 = arith.constant 0 : i32
      %dma_start3A_157 = tpu.memref_slice %arg6[%dma_start3A_155, %dma_start3A_156] : memref<256x128xf32, #tpu.memory_space<vmem>> -> memref<128x128xf32, #tpu.memory_space<vmem>>
      %dma_start3A_158 = arith.constant 0 : i32
      %dma_start3A_159 = tpu.memref_slice %arg5[%dma_start3A_154, %dma_start3A_158] : memref<8x128xi32, #tpu.memory_space<vmem>> -> memref<1x128xi32, #tpu.memory_space<vmem>>
      %dma_start3A_160 = tpu.memref_squeeze %dma_start3A_159 : memref<1x128xi32, #tpu.memory_space<vmem>> -> memref<128xi32, #tpu.memory_space<vmem>>
      %dma_start3A_161 = arith.constant 0 : i32
      %dma_start3A_162 = arith.constant 0 : i32
      %dma_start3A_163 = tpu.memref_slice %arg3[%dma_start3A_161, %dma_start3A_162] : memref<1004096x128xf32, #tpu.memory_space<hbm>> -> memref<1004096x128xf32, #tpu.memory_space<hbm>>
      tpu.enqueue_indirect_dma source(%dma_start3A_163 : memref<1004096x128xf32, #tpu.memory_space<hbm>>) target(%dma_start3A_157 : memref<128x128xf32, #tpu.memory_space<vmem>>) offsets(%dma_start3A_160 : memref<128xi32, #tpu.memory_space<vmem>>) semaphore(%arg9 : memref<!tpu.dma_semaphore, #tpu.memory_space<semaphore_mem>>)
      %dma_wait3A_164 = arith.constant 4 : i32
      %dma_wait3A_165 = arith.constant 0 : i32
      %dma_wait3A_166 = arith.constant 0 : i32
      %dma_wait3A_167 = tpu.memref_slice %arg8[%dma_wait3A_165, %dma_wait3A_166] : memref<256x128xf32, #tpu.memory_space<vmem>> -> memref<128x128xf32, #tpu.memory_space<vmem>>
      %dma_wait3A_168 = arith.constant 0 : i32
      %dma_wait3A_169 = tpu.memref_slice %arg5[%dma_wait3A_164, %dma_wait3A_168] : memref<8x128xi32, #tpu.memory_space<vmem>> -> memref<1x128xi32, #tpu.memory_space<vmem>>
      %dma_wait3A_170 = tpu.memref_squeeze %dma_wait3A_169 : memref<1x128xi32, #tpu.memory_space<vmem>> -> memref<128xi32, #tpu.memory_space<vmem>>
      %dma_wait3A_171 = arith.constant 0 : i32
      %dma_wait3A_172 = arith.constant 0 : i32
      %dma_wait3A_173 = tpu.memref_slice %arg3[%dma_wait3A_171, %dma_wait3A_172] : memref<1004096x128xf32, #tpu.memory_space<hbm>> -> memref<1004096x128xf32, #tpu.memory_space<hbm>>
      tpu.wait_indirect_dma semaphore(%arg11 : memref<!tpu.dma_semaphore, #tpu.memory_space<semaphore_mem>>) src(%dma_wait3A_173 : memref<1004096x128xf32, #tpu.memory_space<hbm>>) dst(%dma_wait3A_167 : memref<128x128xf32, #tpu.memory_space<vmem>>)
      %dma_wait3A_174 = arith.constant 5 : i32
      %dma_wait3A_175 = arith.constant 128 : i32
      %dma_wait3A_176 = arith.constant 0 : i32
      %dma_wait3A_177 = tpu.memref_slice %arg8[%dma_wait3A_175, %dma_wait3A_176] : memref<256x128xf32, #tpu.memory_space<vmem>> -> memref<128x128xf32, #tpu.memory_space<vmem>>
      %dma_wait3A_178 = arith.constant 0 : i32
      %dma_wait3A_179 = tpu.memref_slice %arg5[%dma_wait3A_174, %dma_wait3A_178] : memref<8x128xi32, #tpu.memory_space<vmem>> -> memref<1x128xi32, #tpu.memory_space<vmem>>
      %dma_wait3A_180 = tpu.memref_squeeze %dma_wait3A_179 : memref<1x128xi32, #tpu.memory_space<vmem>> -> memref<128xi32, #tpu.memory_space<vmem>>
      %dma_wait3A_181 = arith.constant 0 : i32
      %dma_wait3A_182 = arith.constant 0 : i32
      %dma_wait3A_183 = tpu.memref_slice %arg3[%dma_wait3A_181, %dma_wait3A_182] : memref<1004096x128xf32, #tpu.memory_space<hbm>> -> memref<1004096x128xf32, #tpu.memory_space<hbm>>
      tpu.wait_indirect_dma semaphore(%arg11 : memref<!tpu.dma_semaphore, #tpu.memory_space<semaphore_mem>>) src(%dma_wait3A_183 : memref<1004096x128xf32, #tpu.memory_space<hbm>>) dst(%dma_wait3A_177 : memref<128x128xf32, #tpu.memory_space<vmem>>)
      %add3A_184 = arith.constant 512 : i32
      %add3A_185 = arith.addi %add3A_11, %add3A_184 : i32
      %multiple_of3A_186 = tpu.assume_multiple %add3A_185, 8 : i32
      %dma_start3A_187 = arith.constant 0 : i32
      %dma_start3A_188 = tpu.memref_slice %arg4[%multiple_of3A_186, %dma_start3A_187] : memref<819200x128xf32, #tpu.memory_space<hbm>> -> memref<256x128xf32, #tpu.memory_space<hbm>>
      %dma_start3A_189 = arith.constant 0 : i32
      %dma_start3A_190 = tpu.memref_slice %arg4[%multiple_of3A_186, %dma_start3A_189] : memref<819200x128xf32, #tpu.memory_space<hbm>> -> memref<256x128xf32, #tpu.memory_space<hbm>>
      tpu.enqueue_dma source(%arg8 : memref<256x128xf32, #tpu.memory_space<vmem>>) target(%dma_start3A_190 : memref<256x128xf32, #tpu.memory_space<hbm>>) target_semaphore(%arg14 : memref<!tpu.dma_semaphore, #tpu.memory_space<semaphore_mem>>)
      %dma_wait3A_191 = arith.constant 6 : i32
      %dma_wait3A_192 = arith.constant 0 : i32
      %dma_wait3A_193 = arith.constant 0 : i32
      %dma_wait3A_194 = tpu.memref_slice %arg6[%dma_wait3A_192, %dma_wait3A_193] : memref<256x128xf32, #tpu.memory_space<vmem>> -> memref<128x128xf32, #tpu.memory_space<vmem>>
      %dma_wait3A_195 = arith.constant 0 : i32
      %dma_wait3A_196 = tpu.memref_slice %arg5[%dma_wait3A_191, %dma_wait3A_195] : memref<8x128xi32, #tpu.memory_space<vmem>> -> memref<1x128xi32, #tpu.memory_space<vmem>>
      %dma_wait3A_197 = tpu.memref_squeeze %dma_wait3A_196 : memref<1x128xi32, #tpu.memory_space<vmem>> -> memref<128xi32, #tpu.memory_space<vmem>>
      %dma_wait3A_198 = arith.constant 0 : i32
      %dma_wait3A_199 = arith.constant 0 : i32
      %dma_wait3A_200 = tpu.memref_slice %arg3[%dma_wait3A_198, %dma_wait3A_199] : memref<1004096x128xf32, #tpu.memory_space<hbm>> -> memref<1004096x128xf32, #tpu.memory_space<hbm>>
      tpu.wait_indirect_dma semaphore(%arg9 : memref<!tpu.dma_semaphore, #tpu.memory_space<semaphore_mem>>) src(%dma_wait3A_200 : memref<1004096x128xf32, #tpu.memory_space<hbm>>) dst(%dma_wait3A_194 : memref<128x128xf32, #tpu.memory_space<vmem>>)
      %dma_wait3A_201 = arith.constant 7 : i32
      %dma_wait3A_202 = arith.constant 128 : i32
      %dma_wait3A_203 = arith.constant 0 : i32
      %dma_wait3A_204 = tpu.memref_slice %arg6[%dma_wait3A_202, %dma_wait3A_203] : memref<256x128xf32, #tpu.memory_space<vmem>> -> memref<128x128xf32, #tpu.memory_space<vmem>>
      %dma_wait3A_205 = arith.constant 0 : i32
      %dma_wait3A_206 = tpu.memref_slice %arg5[%dma_wait3A_201, %dma_wait3A_205] : memref<8x128xi32, #tpu.memory_space<vmem>> -> memref<1x128xi32, #tpu.memory_space<vmem>>
      %dma_wait3A_207 = tpu.memref_squeeze %dma_wait3A_206 : memref<1x128xi32, #tpu.memory_space<vmem>> -> memref<128xi32, #tpu.memory_space<vmem>>
      %dma_wait3A_208 = arith.constant 0 : i32
      %dma_wait3A_209 = arith.constant 0 : i32
      %dma_wait3A_210 = tpu.memref_slice %arg3[%dma_wait3A_208, %dma_wait3A_209] : memref<1004096x128xf32, #tpu.memory_space<hbm>> -> memref<1004096x128xf32, #tpu.memory_space<hbm>>
      tpu.wait_indirect_dma semaphore(%arg9 : memref<!tpu.dma_semaphore, #tpu.memory_space<semaphore_mem>>) src(%dma_wait3A_210 : memref<1004096x128xf32, #tpu.memory_space<hbm>>) dst(%dma_wait3A_204 : memref<128x128xf32, #tpu.memory_space<vmem>>)
      %add3A_211 = arith.constant 768 : i32
      %add3A_212 = arith.addi %add3A_11, %add3A_211 : i32
      %multiple_of3A_213 = tpu.assume_multiple %add3A_212, 8 : i32
      %dma_start3A_214 = arith.constant 0 : i32
      %dma_start3A_215 = tpu.memref_slice %arg4[%multiple_of3A_213, %dma_start3A_214] : memref<819200x128xf32, #tpu.memory_space<hbm>> -> memref<256x128xf32, #tpu.memory_space<hbm>>
      %dma_start3A_216 = arith.constant 0 : i32
      %dma_start3A_217 = tpu.memref_slice %arg4[%multiple_of3A_213, %dma_start3A_216] : memref<819200x128xf32, #tpu.memory_space<hbm>> -> memref<256x128xf32, #tpu.memory_space<hbm>>
      tpu.enqueue_dma source(%arg6 : memref<256x128xf32, #tpu.memory_space<vmem>>) target(%dma_start3A_217 : memref<256x128xf32, #tpu.memory_space<hbm>>) target_semaphore(%arg12 : memref<!tpu.dma_semaphore, #tpu.memory_space<semaphore_mem>>)
      %dma_wait3A_218 = arith.constant 0 : i32
      %dma_wait3A_219 = tpu.memref_slice %arg4[%multiple_of3A_213, %dma_wait3A_218] : memref<819200x128xf32, #tpu.memory_space<hbm>> -> memref<256x128xf32, #tpu.memory_space<hbm>>
      %dma_wait3A_220 = arith.constant 0 : i32
      %dma_wait3A_221 = tpu.memref_slice %arg4[%multiple_of3A_213, %dma_wait3A_220] : memref<819200x128xf32, #tpu.memory_space<hbm>> -> memref<256x128xf32, #tpu.memory_space<hbm>>
      tpu.wait_dma2 semaphore(%arg12 : memref<!tpu.dma_semaphore, #tpu.memory_space<semaphore_mem>>) src(%arg6 : memref<256x128xf32, #tpu.memory_space<vmem>>) dst(%dma_wait3A_221 : memref<256x128xf32, #tpu.memory_space<hbm>>)
      %dma_wait3A_222 = arith.constant 0 : i32
      %dma_wait3A_223 = tpu.memref_slice %arg4[%multiple_of3A_135, %dma_wait3A_222] : memref<819200x128xf32, #tpu.memory_space<hbm>> -> memref<256x128xf32, #tpu.memory_space<hbm>>
      %dma_wait3A_224 = arith.constant 0 : i32
      %dma_wait3A_225 = tpu.memref_slice %arg4[%multiple_of3A_135, %dma_wait3A_224] : memref<819200x128xf32, #tpu.memory_space<hbm>> -> memref<256x128xf32, #tpu.memory_space<hbm>>
      tpu.wait_dma2 semaphore(%arg13 : memref<!tpu.dma_semaphore, #tpu.memory_space<semaphore_mem>>) src(%arg7 : memref<256x128xf32, #tpu.memory_space<vmem>>) dst(%dma_wait3A_225 : memref<256x128xf32, #tpu.memory_space<hbm>>)
      %dma_wait3A_226 = arith.constant 0 : i32
      %dma_wait3A_227 = tpu.memref_slice %arg4[%multiple_of3A_186, %dma_wait3A_226] : memref<819200x128xf32, #tpu.memory_space<hbm>> -> memref<256x128xf32, #tpu.memory_space<hbm>>
      %dma_wait3A_228 = arith.constant 0 : i32
      %dma_wait3A_229 = tpu.memref_slice %arg4[%multiple_of3A_186, %dma_wait3A_228] : memref<819200x128xf32, #tpu.memory_space<hbm>> -> memref<256x128xf32, #tpu.memory_space<hbm>>
      tpu.wait_dma2 semaphore(%arg14 : memref<!tpu.dma_semaphore, #tpu.memory_space<semaphore_mem>>) src(%arg8 : memref<256x128xf32, #tpu.memory_space<vmem>>) dst(%dma_wait3A_229 : memref<256x128xf32, #tpu.memory_space<hbm>>)
    }
    %scan3A_7 = arith.constant 25 : i32
    return
  }
}

</mosaic_0001>

<sc_bundles>
// kernel: kernel.3.cloned.1.call-start
scs
__scs_entry_jumppad:
0x0: {  	(pc) =	sbr.rel $0x88, $3  }
0x1: {  	(tag) =	ssettag $0x0;
	lr =	simm.s32 $0x1  }
0x2: {  	[smem:$0x3F9E] =	sst lr;
	_ =	strace $0xD0000000  }
0x3: {  	_ = 	snop  }
0x4: {  	_ = 	snop  }
0x5: {  	_ = 	snop  }
0x6: {  	_ = 	snop  }
0x7: {  	_ = 	snop  }
__scs_overlays_trampoline_lowered:
0x8: {  	[smem:$0x3FAD] =	sst s0  }
0x9: {  	[smem:$0x3FAE] =	sst s1  }
0xa: {  	[smem:$0x3FAF] =	sst s2  }
0xb: {  	[smem:$0x3FB0] =	sst s3  }
0xc: {  	[smem:$0x3FB1] =	sst s4  }
0xd: {  	[smem:$0x3FB2] =	sst s5  }
0xe: {  	[smem:$0x3FB3] =	sst s6  }
0xf: {  	[smem:$0x3FB4] =	sst s7  }
0x10: {  	[smem:$0x3FB5] =	sst s8  }
0x11: {  	[smem:$0x3FB6] =	sst s9;
	s0 =	simm.s32 @!p0 $0x0  }
0x12: {  	s1 =	sld [smem:$0x3F9C];
	s0 =	simm.s32 @p0 $0x1  }
0x13: {  	[smem:$0x3FB7] =	sst s0;
	s0 =	simm.s32 @!p1 $0x0  }
0x14: {  	s2 =	sld [smem:$0x3F9B];
	s0 =	simm.s32 @p1 $0x1  }
0x15: {  	[smem:$0x3FB8] =	sst s0;
	s0 =	simm.s32 @!p2 $0x0  }
0x16: {  	s3 =	sld [smem:$0x3FDB];
	s0 =	simm.s32 @p2 $0x1  }
0x17: {  	s4 =	simm.s32 $0x1BF5;
	[smem:$0x3FBA] =	sst s0  }
0x18: {  	s0 =	sld [smem:$0x3F9D];
	_ =	swait.ge [sflag:s4], $0x0  }
0x19: {  	s7 =	sld [smem:$0x3F9E]  }
0x1a: {  	s8 =	sadd.s32 $0xFFFFE003, lr  }
0x1b: {  	s9 =	sadd.s32 $0xFFFFFEF7, lr;
	s5 =	simm.s32 $0xFFFFFFFF;
	p2 =	slt.u32 s8, $0xFFFFF086  }
0x1c: {  	p1 =	slt.u32 s9, $0xF7A;
	s5 =	simm.s32 @!p2 $0x0  }
0x1d: {  	s5 =	simm.s32 @p1 $0x1;
	p0 =	seq.s32 s7, s2  }
0x1e: {  	s7 =	smul.u32 @!p0 $0xF7A, s2;
	p2 =	seq.s32 @!p0 s5, $0x0  }
0x1f: {  	s9 =	smul.u32 $0xF7A, s1;
	s8 =	simm.s32 @!p0 $0x1BF5;
	p2 =	por !p2, p0  }
0x20: {  	[sflag:s8] =	ssyncset.s32 @!p0 $0xFFFFF086;
	s6 =	sadd.s32 @!p0 s3, s7;
	s7 =	simm.s32 @!p0 $0x108  }
0x21: {  	s3 =	sadd.s32 s3, s9;
	s6 =	sadd.s32 @!p0 $0x88, s6;
	s7 =	simm.s32 @p2 $0x1082  }
0x22: {  	[simem:s7], [sflag:s8] =	dma.local @!p0 [hbm:s6], $0xF7A  }
0x23: {  	s9 =	sor.u32 $0xD0000000, s2;
	s6 =	simm.s32 $0x108;
	_ =	swait.ge @!p0 [sflag:s8], $0x0  }
0x24: {  	s3 =	sadd.s32 $0x88, s3;
	s6 =	simm.s32 @!p1 $0x1082;
	[sflag:s4] =	ssyncset.s32 $0xFFFFF086  }
0x25: {  	[simem:s6], [sflag:s4] =	dma.local [hbm:s3], $0xF7A  }
0x26: {  	[smem:$0x3F9E] =	sst s1;
	(tag) =	ssettag s2;
	_ =	strace s9  }
0x27: {  	s1 =	sld [smem:$0x3FAE]  }
0x28: {  	s2 =	sld [smem:$0x3FAF]  }
0x29: {  	s4 =	sld [smem:$0x3FB1]  }
0x2a: {  	p0 =	seq.s32 s5, $0x0;
	s5 =	sld [smem:$0x3FB2]  }
0x2b: {  	s6 =	sld [smem:$0x3FB3]  }
0x2c: {  	s7 =	sld [smem:$0x3FB4]  }
0x2d: {  	s3 =	simm.s32 $0x108;
	s8 =	sld [smem:$0x3FB5]  }
0x2e: {  	s3 =	simm.s32 @!p0 $0x1082;
	s9 =	sld [smem:$0x3FB6]  }
0x2f: {  	lr =	sadd.s32 s0, s3;
	s0 =	sld [smem:$0x3FAD]  }
0x30: {  	s3 =	sld [smem:$0x3FB0]  }
0x31: {  	[smem:$0x3FB9] =	sst s10  }
0x32: {  	s10 =	sld [smem:$0x3FB7];
	_ =	sdelay $0x3  }
0x33: {  	p0 =	seq.s32 s10, $0x1;
	s10 =	sld [smem:$0x3FB9];
	_ =	sdelay $0x3  }
0x34: {  	[smem:$0x3FB9] =	sst s10  }
0x35: {  	s10 =	sld [smem:$0x3FB8];
	_ =	sdelay $0x3  }
0x36: {  	p1 =	seq.s32 s10, $0x1;
	s10 =	sld [smem:$0x3FB9];
	_ =	sdelay $0x3  }
0x37: {  	[smem:$0x3FB9] =	sst s10  }
0x38: {  	s10 =	sld [smem:$0x3FBA]  }
0x39: {  	_ = 	snop;
	(pc) =	sbr.ind lr, $3  }
0x3a: {  	_ = 	snop  }
0x3b: {  	_ = 	snop  }
0x3c: {  	p2 =	seq.s32 s10, $0x1;
	s10 =	sld [smem:$0x3FB9]  }
0x3d: {  	_ =	shalt  }
0x3e: {  	_ =	shalt  }
0x3f: {  	_ =	shalt  }
0x40: {  	_ =	shalt  }
0x41: {  	_ =	shalt  }
0x42: {  	_ =	shalt  }
0x43: {  	_ =	shalt  }
0x44: {  	_ =	shalt  }
0x45: {  	_ =	shalt  }
0x46: {  	_ =	shalt  }
0x47: {  	_ =	shalt  }
0x48: {  	_ =	shalt  }
0x49: {  	_ =	shalt  }
0x4a: {  	_ =	shalt  }
0x4b: {  	_ =	shalt  }
0x4c: {  	_ =	shalt  }
0x4d: {  	_ =	shalt  }
0x4e: {  	_ =	shalt  }
0x4f: {  	_ =	shalt  }
0x50: {  	_ =	shalt  }
0x51: {  	_ =	shalt  }
0x52: {  	_ =	shalt  }
0x53: {  	_ =	shalt  }
0x54: {  	_ =	shalt  }
0x55: {  	_ =	shalt  }
0x56: {  	_ =	shalt  }
0x57: {  	_ =	shalt  }
0x58: {  	_ =	shalt  }
0x59: {  	_ =	shalt  }
0x5a: {  	_ =	shalt  }
0x5b: {  	_ =	shalt  }
0x5c: {  	_ =	shalt  }
0x5d: {  	_ =	shalt  }
0x5e: {  	_ =	shalt  }
0x5f: {  	_ =	shalt  }
0x60: {  	_ =	shalt  }
0x61: {  	_ =	shalt  }
0x62: {  	_ =	shalt  }
0x63: {  	_ =	shalt  }
0x64: {  	_ =	shalt  }
0x65: {  	_ =	shalt  }
0x66: {  	_ =	shalt  }
0x67: {  	_ =	shalt  }
0x68: {  	_ =	shalt  }
0x69: {  	_ =	shalt  }
0x6a: {  	_ =	shalt  }
0x6b: {  	_ =	shalt  }
0x6c: {  	_ =	shalt  }
0x6d: {  	_ =	shalt  }
0x6e: {  	_ =	shalt  }
0x6f: {  	_ =	shalt  }
0x70: {  	_ =	shalt  }
0x71: {  	_ =	shalt  }
0x72: {  	_ =	shalt  }
0x73: {  	_ =	shalt  }
0x74: {  	_ =	shalt  }
0x75: {  	_ =	shalt  }
0x76: {  	_ =	shalt  }
0x77: {  	_ =	shalt  }
0x78: {  	_ =	shalt  }
0x79: {  	_ =	shalt  }
0x7a: {  	_ =	shalt  }
0x7b: {  	_ =	shalt  }
0x7c: {  	_ =	shalt  }
0x7d: {  	_ =	shalt  }
0x7e: {  	_ =	shalt  }
0x7f: {  	_ =	shalt  }
0x80: {  	_ =	shalt  }
0x81: {  	_ =	shalt  }
0x82: {  	_ =	shalt  }
0x83: {  	_ =	shalt  }
0x84: {  	_ =	shalt  }
0x85: {  	_ =	shalt  }
0x86: {  	_ =	shalt  }
0x87: {  	_ =	shalt  }
.Lfunc_end0:
.L_simem_size_0:
called_computation.1_lowered:
.L_overlay_start_0:
0x88: {  	s2 =	sld [smem:$0x3FD9]  }
0x89: {  	s3 =	sld [smem:$0x3FFE];
	_ =	sdelay $0x1  }
0x8a: {  	s1 =	srdreg.scid  }
0x8b: {  	s0 =	sand.u32 $0x1, s1  }
0x8c: {  	s17 =	sshll.u32 s0, $0xA;
	s2 =	sadd.s32 s3, s2  }
0x8d: {  	s2 =	sadd.s32 s2, s17  }
0x8e: {  	[smem:$0x3FC5] =	sst s2  }
0x8f: {  	_ = 	snop  }
0x90: {  	s2 =	sld [smem:$0x3FD0];
	(tm) =	ssettm $0x1  }
0x91: {  	s18 =	sld [smem:$0x3FFB];
	_ =	sdelay $0x3  }
0x92: {  	_ =	strace s18  }
0x93: {  	s3 =	sld [smem:$0x3FFC];
	_ =	sdelay $0x3  }
0x94: {  	_ =	strace s3  }
0x95: {  	s3 =	sld [smem:$0x3FFD];
	_ =	sdelay $0x3  }
0x96: {  	_ =	strace s3  }
0x97: {  	_ =	strace $0x8FFFFFFF  }
0x98: {  	s19 =	sld [smem:$0x3FDB];
	_ =	sdelay $0x1  }
0x99: {  	s4 =	simm.s32 $_scs_section_size  }
0x9a: {  	s5 =	simm.s32 $_size__tile_overlayer_lowered;
	s6 =	simm.s32 $_tile_overlayer_lowered  }
0x9b: {  	s22 =	simm.s32 $0x1BFF;
	s21 =	sshll.u32 s6, $0x1;
	s3 =	sadd.s32 s4, s19  }
0x9c: {  	s7 =	simm.s32 $0x0;
	s20 =	sshll.u32 s5, $0x1;
	s5 =	sadd.s32 s21, s3  }
0x9d: {  	[timem:s7], [sflag:s22] =	dma.local [hbm:s5], s20  }
0x9e: {  	_ =	swait.ge [sflag:s22], s20  }
0x9f: {  	s4 =	ssub.s32 $0x0, s20;
	[sflag:s22] =	ssyncset.done $0x0  }
0xa0: {  	[sflag:s22] =	ssyncadd.s32 s4;
	_ =	sdelay $0x1  }
0xa1: {  	s23 =	simm.s32 $0x1B8B  }
0xa2: {  	_ =	swait.ge [sflag:s23], $0x1  }
0xa3: {  	[sflag:s23] =	ssyncset.done $0x0  }
0xa4: {  	s25 =	simm.s32 $0x1B8E;
	s24 =	sld [smem:$0x3FFE];
	[sflag:s23] =	ssyncadd.s32 $0xFFFFFFFF  }
0xa5: {  	s26 =	simm.s32 $execute0_lowered;
	[smem:$0x3FD2] =	sst s25  }
0xa6: {  	s5 =	sshll.u32 s26, $0x1;
	_ =	strace $0x80000046;
	[dreg:$0x1] =	wrdreg $0xFFFFFFFF  }
0xa7: {  	s28 =	simm.s32 $_size_execute0_lowered;
	s3 =	sadd.s32 s3, s5;
	[dreg:$0x0] =	wrdreg $0x0  }
0xa8: {  	s5 =	sshll.u32 s28, $0x1;
	[dreg:$0x2] =	wrdreg s3  }
0xa9: {  	[dreg:$0x3] =	wrdreg s5  }
0xaa: {  	[dreg:$0x4] =	wrdreg $0xC0  }
0xab: {  	_ =	task [dreg:s7], $0x5FFFF  }
0xac: {  	[dreg:$0x1] =	wrdreg $0xFFFFFFFF  }
0xad: {  	[dreg:$0x0] =	wrdreg $0x60  }
0xae: {  	[dreg:$0x2] =	wrdreg s2  }
0xaf: {  	[dreg:$0x3] =	wrdreg s24  }
0xb0: {  	[dreg:$0x4] =	wrdreg $0x9  }
0xb1: {  	_ =	task.clear_ibuf [dreg:s7], $0x5FFFF;
	_ =	strace $0x90000046  }
0xb2: {  	s29 =	simm.s32 $0x9;
	_ =	strace $0x80000048  }
0xb3: {  	_ =	swait.ge [sflag:s29], $0x1  }
0xb4: {  	[sflag:s29] =	ssyncadd.s32 $0xFFFFFFFF  }
0xb5: {  	_ =	strace $0x90000048  }
0xb6: {  	_ =	sfence  }
0xb7: {  	s30 =	sld [smem:$0x0];
	_ =	sdelay $0x2  }
0xb8: {  	s31 =	sshll.u32 s1, $0xD;
	s1 =	sshrl.u32 s1, $0x2  }
0xb9: {  	s3 =	sand.u32 $0x4000, s31;
	s1 =	sadd.s32 s1, s30  }
0xba: {  	s0 =	sor.u32 s3, s0;
	s1 =	sshll.u32 s1, $0x11  }
0xbb: {  	s0 =	sor.u32 s1, s0  }
0xbc: {  	s0 =	sadd.s32 $0x8F2B, s0  }
0xbd: {  	[sflag:s0] =	ssyncadd.remote.s32 $0x1  }
0xbe: {  	_ =	sfence.sel $0xFFFF  }
0xbf: {  	[dreg:$0x0] =	wrdreg $0xFFFFFFFF;
	(pc) =	sbr.abs _section_cstart, $3  }
0xc0: {  	[dreg:$0x1] =	wrdreg $0xFFFFFFFF  }
0xc1: {  	_ =	task.clear_ibuf [dreg:s7], $0x2FFFF;
	_ =	strace $0x9FFFFFFF  }
0xc2: {  	(tm) =	ssettm $0x7FFFFFFF  }
0xc3: {  	_ =	shalt  }
tec
execute0_lowered:
.L_overlay_start_1:
0x0: {  	(tag) =	ssettag $0x1  }
0x1: {  	s6 =	rddreg [dreg:$0x0]  }
0x2: {  	s4 =	rddreg [dreg:$0x1]  }
0x3: {  	s1 =	stileid.u32;
	s2 =	simm.s32 $0x0;
	s3 =	srdreg.scid  }
0x4: {  	s11 =	simm.s32 $0x100;
	s12 =	simm.s32 $0x8400;
	s13 =	simm.s32 $0x180  }
0x5: {  	s14 =	simm.s32 $0xC400;
	s15 =	simm.s32 $0x1;
	s16 =	simm.s32 $0x200  }
0x6: {  	s17 =	simm.s32 $0x10400;
	s18 =	simm.s32 $0x280;
	s19 =	simm.s32 $0x14400  }
0x7: {  	s20 =	simm.s32 $0x2;
	s21 =	simm.s32 $0x4;
	s22 =	simm.s32 $0x300  }
0x8: {  	s23 =	simm.s32 $0x380;
	s24 =	simm.s32 $0x3;
	s25 =	simm.s32 $0x5  }
0x9: {  	s26 =	simm.s32 $0x6;
	s28 =	simm.s32 $0x0;
	s5 =	smul.u32 $0xC8000, s1  }
0xa: {  	[smem:$0x7FF] =	sst s2;
	s7 =	sand.u32 $0x1, s3;
	s8 =	smul.u32 $0xC800, s1  }
0xb: {  	s3 =	sadd.s32 $0xF43000, s4;
	s9 =	smul.u32 $0x6400, s7;
	s10 =	ssub.s32 $0x2, s7  }
0xc: {  	_ =	strace $0x80000047;
	s7 =	smul.u32 $0x64000, s7;
	s31 =	sshrl.u32 s10, $0x1  }
0xd: {  	s4 =	sadd.s32 s5, s4;
	s8 =	sadd.s32 s9, s8;
	s5 =	ssub.s32 s10, s31  }
0xe: {  	s7 =	sadd.s32 s7, s4;
	s9 =	simm.s32 $0x400;
	s10 =	simm.s32 $0x4400  }
0xf: {  	s8 =	sshrl.u32 s8, $0x3;
	s4 =	smax.u32 s5, $0x1;
	s5 =	sadd.s32 $0xC00, s7  }
0x10: {  	s7 =	simm.s32 $0x7;
	s6 =	sadd.s32 s8, s6;
	s8 =	simm.s32 $0x80  }
.LBB2_1:
0x11: {  	[tilespmem:s2], [sflag:$0x7] =	stream.linear.gather [hbm4b:s6+s2], $0x400, $0x38;
	[tilespmem:$0x18400] =	vst v63  }
0x12: {  	_ =	swait.ge [sflag:s7], $0x400  }
0x13: {  	[sflag:s7] =	ssyncset.done $0x0  }
0x14: {  	[sflag:s7] =	ssyncadd.s32 $0xFFFFFC00  }
0x15: {  	[tilespmem:s9], [sflag:$0x1] =	stream.indirect.gather [hbm4b:s3+s8], $0x80, s2, s8, $0xb8;
	[tilespmem:$0x18400] =	vst v63  }
0x16: {  	_ = 	snop  }
0x17: {  	[tilespmem:s10], [sflag:$0x1] =	stream.indirect.gather [hbm4b:s3+s8], $0x80, s8, s8, $0xb8;
	[tilespmem:$0x18400] =	vst v63  }
0x18: {  	_ = 	snop  }
0x19: {  	[tilespmem:s12], [sflag:$0x2] =	stream.indirect.gather [hbm4b:s3+s8], $0x80, s11, s8, $0xb8;
	[tilespmem:$0x18400] =	vst v63  }
0x1a: {  	_ = 	snop  }
0x1b: {  	[tilespmem:s14], [sflag:$0x2] =	stream.indirect.gather [hbm4b:s3+s8], $0x80, s13, s8, $0xb8;
	[tilespmem:$0x18400] =	vst v63  }
0x1c: {  	_ =	swait.ge [sflag:s15], $0x4000  }
0x1d: {  	[sflag:s15] =	ssyncset.done $0x0  }
0x1e: {  	[sflag:s15] =	ssyncadd.s32 $0xFFFFC000  }
0x1f: {  	_ =	swait.ge [sflag:s15], $0x4000  }
0x20: {  	[sflag:s15] =	ssyncset.done $0x0  }
0x21: {  	s29 =	sadd.s32 $0x0, s5;
	[sflag:s15] =	ssyncadd.s32 $0xFFFFC000  }
0x22: {  	[hbm4b:s29+s2] =	stream.linear.scatter [tilespmem:s9], [sflag:$0x4], $0x8000, $0x38;
	[tilespmem:$0x18400] =	vst v63  }
0x23: {  	_ = 	snop  }
0x24: {  	[tilespmem:s17], [sflag:$0x3] =	stream.indirect.gather [hbm4b:s3+s8], $0x80, s16, s8, $0xb8;
	[tilespmem:$0x18400] =	vst v63  }
0x25: {  	_ = 	snop  }
0x26: {  	[tilespmem:s19], [sflag:$0x3] =	stream.indirect.gather [hbm4b:s3+s8], $0x80, s18, s8, $0xb8;
	[tilespmem:$0x18400] =	vst v63  }
0x27: {  	_ =	swait.ge [sflag:s20], $0x4000  }
0x28: {  	[sflag:s20] =	ssyncset.done $0x0  }
0x29: {  	[sflag:s20] =	ssyncadd.s32 $0xFFFFC000  }
0x2a: {  	_ =	swait.ge [sflag:s20], $0x4000  }
0x2b: {  	[sflag:s20] =	ssyncset.done $0x0  }
0x2c: {  	s30 =	sadd.s32 $0x1000, s29;
	[sflag:s20] =	ssyncadd.s32 $0xFFFFC000  }
0x2d: {  	[hbm4b:s30+s2] =	stream.linear.scatter [tilespmem:s12], [sflag:$0x5], $0x8000, $0x38;
	[tilespmem:$0x18400] =	vst v63  }
0x2e: {  	_ =	swait.ge [sflag:s21], $0x8000  }
0x2f: {  	[sflag:s21] =	ssyncset.done $0x0  }
0x30: {  	[sflag:s21] =	ssyncadd.s32 $0xFFFF8000  }
0x31: {  	[tilespmem:s9], [sflag:$0x1] =	stream.indirect.gather [hbm4b:s3+s8], $0x80, s22, s8, $0xb8;
	[tilespmem:$0x18400] =	vst v63  }
0x32: {  	_ = 	snop  }
0x33: {  	[tilespmem:s10], [sflag:$0x1] =	stream.indirect.gather [hbm4b:s3+s8], $0x80, s23, s8, $0xb8;
	[tilespmem:$0x18400] =	vst v63  }
0x34: {  	_ =	swait.ge [sflag:s24], $0x4000  }
0x35: {  	[sflag:s24] =	ssyncset.done $0x0  }
0x36: {  	[sflag:s24] =	ssyncadd.s32 $0xFFFFC000  }
0x37: {  	_ =	swait.ge [sflag:s24], $0x4000  }
0x38: {  	[sflag:s24] =	ssyncset.done $0x0  }
0x39: {  	s30 =	sadd.s32 $0x2000, s29;
	[sflag:s24] =	ssyncadd.s32 $0xFFFFC000  }
0x3a: {  	[hbm4b:s30+s2] =	stream.linear.scatter [tilespmem:s17], [sflag:$0x6], $0x8000, $0x38;
	[tilespmem:$0x18400] =	vst v63  }
0x3b: {  	_ =	swait.ge [sflag:s15], $0x4000  }
0x3c: {  	[sflag:s15] =	ssyncset.done $0x0  }
0x3d: {  	[sflag:s15] =	ssyncadd.s32 $0xFFFFC000  }
0x3e: {  	_ =	swait.ge [sflag:s15], $0x4000  }
0x3f: {  	[sflag:s15] =	ssyncset.done $0x0  }
0x40: {  	s29 =	sadd.s32 $0x3000, s29;
	[sflag:s15] =	ssyncadd.s32 $0xFFFFC000  }
0x41: {  	[hbm4b:s29+s2] =	stream.linear.scatter [tilespmem:s9], [sflag:$0x4], $0x8000, $0x38;
	[tilespmem:$0x18400] =	vst v63  }
0x42: {  	_ =	swait.ge [sflag:s21], $0x8000  }
0x43: {  	[sflag:s21] =	ssyncset.done $0x0  }
0x44: {  	[sflag:s21] =	ssyncadd.s32 $0xFFFF8000  }
0x45: {  	_ =	swait.ge [sflag:s25], $0x8000  }
0x46: {  	[sflag:s25] =	ssyncset.done $0x0  }
0x47: {  	[sflag:s25] =	ssyncadd.s32 $0xFFFF8000  }
0x48: {  	_ =	swait.ge [sflag:s26], $0x8000  }
0x49: {  	s30 =	smov.u32 s6;
	s29 =	simm.s32 $0x4000;
	[sflag:s26] =	ssyncset.done $0x0  }
.LBB2_2:
0x4a: {  	p0 =	sne.s32 s29, $0x60000;
	[sflag:s26] =	ssyncadd.s32 $0xFFFF8000;
	s30 =	sadd.s32 $0x80, s30  }
0x4b: {  	[tilespmem:s2], [sflag:$0x7] =	stream.linear.gather [hbm4b:s30+s2], $0x400, $0x38;
	[tilespmem:$0x18400] =	vst v63  }
0x4c: {  	s31 =	smov.u32 s29;
	s29 =	sadd.s32 $0x4000, s29;
	_ =	swait.ge [sflag:s7], $0x400  }
0x4d: {  	[sflag:s7] =	ssyncset.done $0x0  }
0x4e: {  	[sflag:s7] =	ssyncadd.s32 $0xFFFFFC00  }
0x4f: {  	[tilespmem:s9], [sflag:$0x1] =	stream.indirect.gather [hbm4b:s3+s8], $0x80, s2, s8, $0xb8;
	[tilespmem:$0x18400] =	vst v63  }
0x50: {  	_ = 	snop  }
0x51: {  	[tilespmem:s10], [sflag:$0x1] =	stream.indirect.gather [hbm4b:s3+s8], $0x80, s8, s8, $0xb8;
	[tilespmem:$0x18400] =	vst v63  }
0x52: {  	_ = 	snop  }
0x53: {  	[tilespmem:s12], [sflag:$0x2] =	stream.indirect.gather [hbm4b:s3+s8], $0x80, s11, s8, $0xb8;
	[tilespmem:$0x18400] =	vst v63  }
0x54: {  	_ = 	snop  }
0x55: {  	[tilespmem:s14], [sflag:$0x2] =	stream.indirect.gather [hbm4b:s3+s8], $0x80, s13, s8, $0xb8;
	[tilespmem:$0x18400] =	vst v63  }
0x56: {  	_ =	swait.ge [sflag:s15], $0x4000  }
0x57: {  	[sflag:s15] =	ssyncset.done $0x0  }
0x58: {  	[sflag:s15] =	ssyncadd.s32 $0xFFFFC000  }
0x59: {  	_ =	swait.ge [sflag:s15], $0x4000  }
0x5a: {  	[sflag:s15] =	ssyncset.done $0x0  }
0x5b: {  	s31 =	sadd.s32 s31, s5;
	[sflag:s15] =	ssyncadd.s32 $0xFFFFC000  }
0x5c: {  	[hbm4b:s31+s2] =	stream.linear.scatter [tilespmem:s9], [sflag:$0x4], $0x8000, $0x38;
	[tilespmem:$0x18400] =	vst v63  }
0x5d: {  	_ = 	snop  }
0x5e: {  	[tilespmem:s17], [sflag:$0x3] =	stream.indirect.gather [hbm4b:s3+s8], $0x80, s16, s8, $0xb8;
	[tilespmem:$0x18400] =	vst v63  }
0x5f: {  	_ = 	snop  }
0x60: {  	[tilespmem:s19], [sflag:$0x3] =	stream.indirect.gather [hbm4b:s3+s8], $0x80, s18, s8, $0xb8;
	[tilespmem:$0x18400] =	vst v63  }
0x61: {  	_ =	swait.ge [sflag:s20], $0x4000  }
0x62: {  	[sflag:s20] =	ssyncset.done $0x0  }
0x63: {  	[sflag:s20] =	ssyncadd.s32 $0xFFFFC000  }
0x64: {  	_ =	swait.ge [sflag:s20], $0x4000  }
0x65: {  	[sflag:s20] =	ssyncset.done $0x0  }
0x66: {  	s0 =	sadd.s32 $0x1000, s31;
	[sflag:s20] =	ssyncadd.s32 $0xFFFFC000  }
0x67: {  	[hbm4b:s0+s2] =	stream.linear.scatter [tilespmem:s12], [sflag:$0x5], $0x8000, $0x38;
	[tilespmem:$0x18400] =	vst v63  }
0x68: {  	_ =	swait.ge [sflag:s21], $0x8000  }
0x69: {  	[sflag:s21] =	ssyncset.done $0x0  }
0x6a: {  	[sflag:s21] =	ssyncadd.s32 $0xFFFF8000  }
0x6b: {  	[tilespmem:s9], [sflag:$0x1] =	stream.indirect.gather [hbm4b:s3+s8], $0x80, s22, s8, $0xb8;
	[tilespmem:$0x18400] =	vst v63  }
0x6c: {  	_ = 	snop  }
0x6d: {  	[tilespmem:s10], [sflag:$0x1] =	stream.indirect.gather [hbm4b:s3+s8], $0x80, s23, s8, $0xb8;
	[tilespmem:$0x18400] =	vst v63  }
0x6e: {  	_ =	swait.ge [sflag:s24], $0x4000  }
0x6f: {  	[sflag:s24] =	ssyncset.done $0x0  }
0x70: {  	[sflag:s24] =	ssyncadd.s32 $0xFFFFC000  }
0x71: {  	_ =	swait.ge [sflag:s24], $0x4000  }
0x72: {  	[sflag:s24] =	ssyncset.done $0x0  }
0x73: {  	s0 =	sadd.s32 $0x2000, s31;
	[sflag:s24] =	ssyncadd.s32 $0xFFFFC000  }
0x74: {  	[hbm4b:s0+s2] =	stream.linear.scatter [tilespmem:s17], [sflag:$0x6], $0x8000, $0x38;
	[tilespmem:$0x18400] =	vst v63  }
0x75: {  	_ =	swait.ge [sflag:s15], $0x4000  }
0x76: {  	[sflag:s15] =	ssyncset.done $0x0  }
0x77: {  	[sflag:s15] =	ssyncadd.s32 $0xFFFFC000  }
0x78: {  	_ =	swait.ge [sflag:s15], $0x4000  }
0x79: {  	[sflag:s15] =	ssyncset.done $0x0  }
0x7a: {  	s0 =	sadd.s32 $0x3000, s31;
	[sflag:s15] =	ssyncadd.s32 $0xFFFFC000  }
0x7b: {  	[hbm4b:s0+s2] =	stream.linear.scatter [tilespmem:s9], [sflag:$0x4], $0x8000, $0x38;
	[tilespmem:$0x18400] =	vst v63  }
0x7c: {  	_ =	swait.ge [sflag:s21], $0x8000  }
0x7d: {  	[sflag:s21] =	ssyncset.done $0x0  }
0x7e: {  	[sflag:s21] =	ssyncadd.s32 $0xFFFF8000  }
.Ltmp0:
0x7f: {  	_ =	swait.ge [sflag:s25], $0x8000;
	(pc) =	sbr.rel @p0 .LBB2_2-.Ltmp0, $4  }
0x80: {  	[sflag:s25] =	ssyncset.done $0x0  }
0x81: {  	[sflag:s25] =	ssyncadd.s32 $0xFFFF8000  }
0x82: {  	_ =	swait.ge [sflag:s26], $0x8000  }
0x83: {  	[sflag:s26] =	ssyncset.done $0x0  }
0x84: {  	s28 =	sadd.s32 $0x1, s28  }
0x85: {  	p0 =	sne.s32 s28, s4  }
.Ltmp1:
0x86: {  	_ = 	snop;
	(pc) =	sbr.rel @p0 .LBB2_1-.Ltmp1, $2  }
0x87: {  	_ =	sdelay $0x2  }
0x88: {  	[sflag:s26] =	ssyncadd.s32 $0xFFFF8000  }
0x89: {  	_ =	sfence.sel $0x180000  }
0x8a: {  	[bflag:$0x0] =	sbarrier.arrive $0xFFFF  }
0x8b: {  	_ =	strace $0x90000047  }
0x8c: {  	[bflag:$0x2] =	sbarrier.arrive $0xFFFF  }
0x8d: {  	p0 =	sne.s32 s1, $0x0;
	s0 =	rddreg [dreg:$0x2]  }
0x8e: {  	s0 =	sadd.s32 @!p0 $0x100000, s0  }
0x8f: {  	[sflag:s0] =	ssyncadd.tile.s32 @!p0 $0x1;
	_ =	shalt  }
.Lfunc_end2:
_tile_overlayer_lowered:
.L_overlay_start_2:
0x90: {  	(tag) =	ssettag $0x2  }
0x91: {  	s0 =	rddreg [dreg:$0x0];
	s2 =	stileid.u32  }
0x92: {  	s1 =	rddreg [dreg:$0x1];
	p0 =	sne.s32 s2, $0x0  }
0x93: {  	s3 =	rddreg [dreg:$0x2];
	[bflag:$0x3] =	sbarrier.arrive $0xFFFF;
	s2 =	simm.s32 @!p0 $0x1C07  }
0x94: {  	[timem:s3], [sflag:s2] =	dma.local @!p0 [hbm:s0], s1  }
0x95: {  	s0 =	simm.s32 @!p0 $0x7  }
0x96: {  	_ =	swait.ge @!p0 [sflag:s0], s1  }
0x97: {  	s1 =	ssub.s32 @!p0 $0x0, s1;
	[sflag:s0] =	ssyncset.done @!p0 $0x0  }
0x98: {  	[sflag:s0] =	ssyncadd.s32 @!p0 s1  }
0x99: {  	[bflag:$0x3] =	sbarrier.arrive $0xFFFF  }
0x9a: {  	_ =	shalt  }

// kernel: sparse-core-data-format-call.cloned.1.call-start
scs
called_computation_lowered:
.L_overlay_start_0:
0x0: {  	s2 =	sld [smem:$0x3FD9]  }
0x1: {  	s3 =	sld [smem:$0x3FFE];
	_ =	sdelay $0x1  }
0x2: {  	s1 =	srdreg.scid  }
0x3: {  	s0 =	sand.u32 $0x1, s1  }
0x4: {  	s18 =	sshll.u32 s0, $0xA;
	s2 =	sadd.s32 s3, s2  }
0x5: {  	s2 =	sadd.s32 s2, s18  }
0x6: {  	[smem:$0x3FC5] =	sst s2  }
0x7: {  	_ = 	snop  }
0x8: {  	s2 =	sld [smem:$0x3FD0];
	(tm) =	ssettm $0x1  }
0x9: {  	s19 =	sld [smem:$0x3FFB];
	_ =	sdelay $0x3  }
0xa: {  	_ =	strace s19  }
0xb: {  	s3 =	sld [smem:$0x3FFC];
	_ =	sdelay $0x3  }
0xc: {  	_ =	strace s3  }
0xd: {  	s3 =	sld [smem:$0x3FFD];
	_ =	sdelay $0x3  }
0xe: {  	_ =	strace s3  }
0xf: {  	_ =	strace $0x8FFFFFFF  }
0x10: {  	s20 =	sld [smem:$0x3FDB];
	_ =	sdelay $0x1  }
0x11: {  	s4 =	simm.s32 $_scs_section_size  }
0x12: {  	s5 =	simm.s32 $_size__tile_overlayer_lowered;
	s6 =	simm.s32 $_tile_overlayer_lowered  }
0x13: {  	s23 =	simm.s32 $0x1BFF;
	s22 =	sshll.u32 s6, $0x1;
	s3 =	sadd.s32 s4, s20  }
0x14: {  	s7 =	simm.s32 $0x0;
	s21 =	sshll.u32 s5, $0x1;
	s5 =	sadd.s32 s22, s3  }
0x15: {  	[timem:s7], [sflag:s23] =	dma.local [hbm:s5], s21  }
0x16: {  	_ =	swait.ge [sflag:s23], s21  }
0x17: {  	s4 =	ssub.s32 $0x0, s21;
	[sflag:s23] =	ssyncset.done $0x0  }
0x18: {  	[sflag:s23] =	ssyncadd.s32 s4;
	_ =	sdelay $0x1  }
0x19: {  	s24 =	simm.s32 $0x1B8B  }
0x1a: {  	_ =	swait.ge [sflag:s24], $0x1  }
0x1b: {  	[sflag:s24] =	ssyncset.done $0x0  }
0x1c: {  	s26 =	simm.s32 $0x1B8E;
	s25 =	sld [smem:$0x3FFE];
	[sflag:s24] =	ssyncadd.s32 $0xFFFFFFFF  }
0x1d: {  	s27 =	simm.s32 $execute0_lowered;
	[smem:$0x3FD2] =	sst s26  }
0x1e: {  	s5 =	sshll.u32 s27, $0x1;
	_ =	strace $0x80000049;
	[dreg:$0x1] =	wrdreg $0xFFFFFFFF  }
0x1f: {  	s28 =	simm.s32 $_size_execute0_lowered;
	s3 =	sadd.s32 s3, s5;
	[dreg:$0x0] =	wrdreg $0x0  }
0x20: {  	s5 =	sshll.u32 s28, $0x1;
	[dreg:$0x2] =	wrdreg s3  }
0x21: {  	[dreg:$0x3] =	wrdreg s5  }
0x22: {  	[dreg:$0x4] =	wrdreg $0xC0  }
0x23: {  	_ =	task [dreg:s7], $0x5FFFF  }
0x24: {  	[dreg:$0x1] =	wrdreg $0xFFFFFFFF  }
0x25: {  	[dreg:$0x0] =	wrdreg $0x60  }
0x26: {  	[dreg:$0x2] =	wrdreg s25  }
0x27: {  	[dreg:$0x3] =	wrdreg s2  }
0x28: {  	[dreg:$0x4] =	wrdreg $0x9  }
0x29: {  	_ =	task.clear_ibuf [dreg:s7], $0x5FFFF;
	_ =	strace $0x90000049  }
0x2a: {  	s29 =	simm.s32 $0x9;
	_ =	strace $0x8000004B  }
0x2b: {  	_ =	swait.ge [sflag:s29], $0x1  }
0x2c: {  	[sflag:s29] =	ssyncadd.s32 $0xFFFFFFFF  }
0x2d: {  	_ =	strace $0x9000004B  }
0x2e: {  	_ =	sfence  }
0x2f: {  	s30 =	sld [smem:$0x0];
	_ =	sdelay $0x2  }
0x30: {  	s31 =	sshll.u32 s1, $0xD;
	s1 =	sshrl.u32 s1, $0x2  }
0x31: {  	s3 =	sand.u32 $0x4000, s31;
	s1 =	sadd.s32 s1, s30  }
0x32: {  	s0 =	sor.u32 s3, s0;
	s1 =	sshll.u32 s1, $0x11  }
0x33: {  	s0 =	sor.u32 s1, s0  }
0x34: {  	s0 =	sadd.s32 $0x8F2B, s0  }
0x35: {  	[sflag:s0] =	ssyncadd.remote.s32 $0x1  }
0x36: {  	_ =	sfence.sel $0xFFFF  }
0x37: {  	[dreg:$0x0] =	wrdreg $0xFFFFFFFF;
	(pc) =	sbr.abs _section_cstart, $3  }
0x38: {  	[dreg:$0x1] =	wrdreg $0xFFFFFFFF  }
0x39: {  	_ =	task.clear_ibuf [dreg:s7], $0x2FFFF;
	_ =	strace $0x9FFFFFFF  }
0x3a: {  	(tm) =	ssettm $0x7FFFFFFF  }
0x3b: {  	_ =	shalt  }
tec
execute0_lowered:
.L_overlay_start_1:
0x0: {  	(tag) =	ssettag $0x1  }
0x1: {  	s0 =	srdreg.scid  }
0x2: {  	s1 =	sshll.u32 s0, $0x4  }
0x3: {  	s0 =	stileid.u32;
	s1 =	sand.u32 $0x10, s1  }
0x4: {  	s1 =	sor.u32 s0, s1  }
0x5: {  	s6 =	rddreg [dreg:$0x0];
	s4 =	simm.s32 $0x1;
	s2 =	sshll.u32 s1, $0x7  }
0x6: {  	s7 =	simm.s32 $0x2;
	s12 =	simm.s32 $0x0;
	s1 =	ssub.s32 $0x1000, s2  }
0x7: {  	s8 =	simm.s32 $0x8000;
	s13 =	simm.s32 $0x0;
	s3 =	sand.u32 $0xF80, s1  }
0x8: {  	s9 =	simm.s32 $0x0;
	s5 =	sshrl.u32 s1, $0xC;
	p0 =	sne.s32 s3, $0x0  }
.Ltmp0:
0x9: {  	s1 =	rddreg [dreg:$0x2];
	s4 =	simm.s32 @!p0 $0x0;
	(pc) =	sbr.rel .LBB1_1-.Ltmp0, $4  }
0xa: {  	s11 =	simm.s32 $0x0;
	s3 =	rddreg [dreg:$0x1];
	s5 =	sadd.s32 s4, s5  }
0xb: {  	_ =	strace $0x8000004A;
	s4 =	simm.s32 $0x1;
	s5 =	smul.u32 $0xC8, s5  }
0xc: {  	s6 =	sadd.s32 $0xC00, s6;
	s10 =	smov.u32 s2;
	[sflag:s4] =	ssyncpa.u1 $0x0  }
0xd: {  	p0 =	por $0x0, $0x0;
	[sflag:s7] =	ssyncpa.u1 $0x0;
	s7 =	sor.u32 $0x1, s5  }
.LBB1_4:
0xe: {  	s16 =	sshll.u32 s13, $0x3;
	s17 =	sand.u32 $0x78, s13  }
0xf: {  	s30 =	sand.u32 $0x7E00, s13;
	s12 =	sshll.u32 s12, $0xF;
	s16 =	sand.u32 $0xC00, s16  }
0x10: {  	[tilespmem:s15+$0x810 ss:$0x81] =	vst.msk $0xffff, v2;
	s31 =	sand.u32 $0x7, s13;
	s16 =	sor.u32 s17, s16;
	s17 =	sadd.s32 s3, s30  }
0x11: {  	[tilespmem:s15+$0x1020 ss:$0x81] =	vst.msk $0xffff, v0;
	s13 =	sshll.u32 s31, $0x12;
	s12 =	sadd.s32 s12, s17;
	s16 =	sshrl.u32 s16, $0x3  }
0x12: {  	[tilespmem:s15+$0x0 ss:$0x81] =	vst.msk $0xffff, v1;
	s13 =	sor.u32 $0x400, s13;
	s12 =	sadd.s32 s16, s12  }
0x13: {  	[hbm4b:s12+s13] =	stream.strided.scatter [tilespmem:s14], [sflag:$0x2], $0x2000, s8, s13, $0x20;
	[tilespmem:$0x8080] =	vst v63  }
.LBB1_5:
0x14: {  	s14 =	sadd.s32 $0x1, s9  }
0x15: {  	s12 =	sadd.s32 $0x1000, s10;
	s16 =	smov.u32 s10;
	p2 =	sgt.s32 s14, $0xC7  }
0x16: {  	s16 =	smov.u32 @p2 s12  }
0x17: {  	s14 =	simm.s32 @p2 $0x0;
	p2 =	sgt.s32 s16, $0xFFF  }
0x18: {  	s16 =	smov.u32 @p2 s2;
	p2 =	sne.s32 s11, s7  }
.Ltmp1:
0x19: {  	p1 =	slt.u32 s11, $0x2;
	(pc) =	sbr.rel @!p2 .LBB1_6-.Ltmp1, $4  }
0x1a: {  	s15 =	simm.s32 @!p1 $0x2  }
0x1b: {  	s13 =	smov.u32 s10;
	p0 =	por !p0, !p0;
	_ =	swait.ge @!p1 [sflag:s15], $0x2000  }
0x1c: {  	s12 =	smov.u32 s9;
	[sflag:s15] =	ssyncset.done @!p1 $0x0;
	s9 =	smov.u32 s14  }
0x1d: {  	s11 =	sadd.s32 $0x1, s11;
	[sflag:s15] =	ssyncadd.s32 @!p1 $0xFFFFE000;
	s10 =	smov.u32 s16  }
.LBB1_1:
0x1e: {  	p1 =	sge.u32 s11, s5  }
0x1f: {  	s14 =	sand.u32 @!p1 $0x1FFFFFF, s9  }
0x20: {  	s15 =	smulhi.u32 @!p1 $0x147AE15, s14;
	_ =	sdelay $0x1  }
0x21: {  	s15 =	smul.u32 @!p1 $0xC8, s15  }
0x22: {  	s16 =	sxor.u32 @!p1 $0xFFFFFFFF, s11;
	s17 =	smul.u32 @!p1 $0xC80, s10  }
0x23: {  	s31 =	sadd.s32 $0xFFFFFFFF, s11;
	s16 =	sshll.u32 @!p1 s16, $0xD;
	s14 =	ssub.s32 @!p1 s14, s15  }
0x24: {  	s15 =	sand.u32 @!p1 $0x2000, s16;
	s16 =	sadd.s32 @!p1 s6, s17;
	s14 =	sshll.u32 @!p1 s14, $0x4  }
0x25: {  	s17 =	simm.s32 @!p1 $0x6400;
	s14 =	sadd.s32 @!p1 s14, s16;
	s16 =	simm.s32 @!p1 $0x40  }
0x26: {  	[tilespmem:s15], [sflag:$0x1] =	stream.strided.gather @!p1 [hbm4b:s14+s16], $0x2000, s17, s16, $0x38;
	[tilespmem:$0x8080] =	vst v63  }
0x27: {  	p1 =	sge.u32 s31, s5  }
.Ltmp2:
0x28: {  	_ = 	snop;
	(pc) =	sbr.rel @p1 .LBB1_5-.Ltmp2, $1  }
0x29: {  	_ =	sdelay $0x3  }
0x2a: {  	s14 =	simm.s32 $0x1  }
0x2b: {  	_ =	swait.ge [sflag:s4], $0x2000;
	s14 =	simm.s32 @!p0 $0x0  }
0x2c: {  	[sflag:s4] =	ssyncset.done $0x0;
	s15 =	sshll.u32 s14, $0xD  }
0x2d: {  	[sflag:s4] =	ssyncadd.s32 $0xFFFFE000;
	s18 =	sor.u32 $0x20, s15  }
0x2e: {  	s14 =	smul.u32 $0x8100, s14;
	v3 =	vld [tilespmem:s18+$0x10]  }
0x2f: {  	s30 =	sand.u32 $0x1, s11;
	v2 =	vld [tilespmem:s18+$0xFFFFFFF0]  }
0x30: {  	s15 =	smul.u32 $0x8100, s30;
	s14 =	sshrl.u32 s14, $0x2;
	v0 =	vld [tilespmem:s18+$0x0]  }
0x31: {  	v1 =	vld [tilespmem:s18+$0xFFFFFFE0];
	s16 =	sor.u32 $0x4000, s14  }
0x32: {  	s31 =	sshrl.u32 s15, $0x2;
	s15 =	sadd.s32 $0x0, s16  }
0x33: {  	s17 =	simm.s32 $0x4;
	s18 =	sadd.s32 $0x40, s18;
	s14 =	sor.u32 $0x4000, s31;
	[tilespmem:s15+$0x1830 ss:$0x81] =	vst.msk $0xffff, v3  }
.LBB1_3:
0x34: {  	v3 =	vld [tilespmem:s18+$0x10];
	p1 =	sne.s32 s17, $0x1FC;
	[tilespmem:s15+$0x810 ss:$0x81] =	vst.msk $0xffff, v2;
	s19 =	smov.u32 s17;
	s17 =	sadd.s32 $0x4, s17  }
.Ltmp3:
0x35: {  	v2 =	vld [tilespmem:s18+$0xFFFFFFF0];
	[tilespmem:s15+$0x1020 ss:$0x81] =	vst.msk $0xffff, v0;
	(pc) =	sbr.rel @p1 .LBB1_3-.Ltmp3, $4  }
0x36: {  	v0 =	vld [tilespmem:s18+$0x0];
	[tilespmem:s15+$0x0 ss:$0x81] =	vst.msk $0xffff, v1  }
0x37: {  	s15 =	sshra.s32 s19, $0x2;
	v1 =	vld [tilespmem:s18+$0xFFFFFFE0]  }
0x38: {  	s15 =	sadd.s32 s15, s16  }
0x39: {  	s18 =	sadd.s32 $0x40, s18;
	[tilespmem:s15+$0x1830 ss:$0x81] =	vst.msk $0xffff, v3  }
.Ltmp4:
0x3a: {  	_ = 	snop;
	(pc) =	sbr.rel .LBB1_4-.Ltmp4, $1  }
0x3b: {  	_ =	sdelay $0x3  }
.LBB1_6:
0x3c: {  	_ =	sfence.sel $0x180000  }
0x3d: {  	s2 =	simm.s32 $0x1;
	[bflag:$0x0] =	sbarrier.arrive $0xFFFF  }
0x3e: {  	s31 =	simm.s32 $0x2;
	[sflag:s2] =	ssyncpa.u1 $0x1  }
0x3f: {  	[sflag:s31] =	ssyncpa.u1 $0x1  }
0x40: {  	p0 =	sne.s32 s0, $0x0;
	_ =	strace $0x9000004A  }
0x41: {  	s0 =	sadd.s32 @!p0 $0x100000, s1;
	[bflag:$0x2] =	sbarrier.arrive $0xFFFF  }
0x42: {  	[sflag:s0] =	ssyncadd.tile.s32 @!p0 $0x1;
	_ =	shalt  }
.Lfunc_end1:
_tile_overlayer_lowered:
.L_overlay_start_2:
0x43: {  	(tag) =	ssettag $0x2  }
0x44: {  	s0 =	rddreg [dreg:$0x0];
	s2 =	stileid.u32  }
0x45: {  	s1 =	rddreg [dreg:$0x1];
	p0 =	sne.s32 s2, $0x0  }
0x46: {  	s3 =	rddreg [dreg:$0x2];
	[bflag:$0x3] =	sbarrier.arrive $0xFFFF;
	s2 =	simm.s32 @!p0 $0x1C01  }
0x47: {  	[timem:s3], [sflag:s2] =	dma.local @!p0 [hbm:s0], s1  }
0x48: {  	s0 =	simm.s32 @!p0 $0x1  }
0x49: {  	_ =	swait.ge @!p0 [sflag:s0], s1  }
0x4a: {  	s1 =	ssub.s32 @!p0 $0x0, s1;
	[sflag:s0] =	ssyncset.done @!p0 $0x0  }
0x4b: {  	[sflag:s0] =	ssyncadd.s32 @!p0 s1  }
0x4c: {  	[bflag:$0x3] =	sbarrier.arrive $0xFFFF  }
0x4d: {  	_ =	shalt  }

</sc_bundles>
